<compile_context>
chip_gen: v7x
topology: tpu7x:2x2x1
jax: 0.10.2.dev20260603
libtpu: 0.0.44.dev20260713+nightly
codegen_flags: <defaults>
</compile_context>

<pallas_src>
import jax
import jax.numpy as jnp
from jax.experimental import pallas as pl

PRE_NMS_THRESH = 0.3
K_TOP = 1000
DOWNSAMPLE = 32.0

N, C, T = 32, 4, 20000
KPAD = 1024


def _mask_body(cls_ref, iou_ref, out_ref):
    a = cls_ref[...]
    b = iou_ref[...]
    sa = 1.0 / (1.0 + jnp.exp(-a))
    sb = 1.0 / (1.0 + jnp.exp(-b))
    s = sa * sb
    out_ref[...] = jnp.where(s > PRE_NMS_THRESH, s, 0.0)


def _decode_body(tv_ref, ti_ref, gl_ref, g0_ref, g1_ref,
                 d0_ref, d1_ref, sc_ref, nl_ref, lb_ref):
    tv = tv_ref[...]
    ti = ti_ref[...]
    gl = gl_ref[...]
    g0 = g0_ref[...]
    g1 = g1_ref[...]
    start = jnp.clip((gl - g0) / DOWNSAMPLE, 0.0, 1.0)
    end = jnp.clip((gl + g1) / DOWNSAMPLE, 0.0, 1.0)
    valid = (tv > PRE_NMS_THRESH) & ((end - start) >= 0.0)
    vf = valid.astype(jnp.float32)
    safe = jnp.where(valid, tv, 1.0)
    d0_ref[...] = start * vf
    d1_ref[...] = end * vf
    sc_ref[...] = jnp.sqrt(safe) * vf
    nl_ref[...] = (gl / DOWNSAMPLE) * vf
    lb_ref[...] = (ti & (C - 1)) + 1


def kernel(locations, box_cls, box_regression, iou_scores):
    f32 = jnp.float32
    i32 = jnp.int32
    BN = 8
    m = pl.pallas_call(
        _mask_body,
        grid=(N // BN,),
        in_specs=[
            pl.BlockSpec((BN, C, T), lambda g: (g, 0, 0)),
            pl.BlockSpec((BN, C, T), lambda g: (g, 0, 0)),
        ],
        out_specs=pl.BlockSpec((BN, C, T), lambda g: (g, 0, 0)),
        out_shape=jax.ShapeDtypeStruct((N, C, T), f32),
    )(box_cls, iou_scores)

    mt = jnp.transpose(m, (0, 2, 1)).reshape(N, T * C)
    topv, topi = jax.lax.top_k(mt, K_TOP)

    box_loc = topi // C
    gl = locations[box_loc]
    reg = jnp.transpose(box_regression, (0, 2, 1))
    per_reg = jnp.take_along_axis(reg, box_loc[..., None], axis=1)
    g0 = per_reg[..., 0]
    g1 = per_reg[..., 1]

    pad = ((0, 0), (0, KPAD - K_TOP))
    tvp = jnp.pad(topv, pad)
    tip = jnp.pad(topi, pad)
    glp = jnp.pad(gl, pad)
    g0p = jnp.pad(g0, pad)
    g1p = jnp.pad(g1, pad)

    spec = pl.BlockSpec((N, KPAD), lambda: (0, 0))
    d0, d1, scores, nl, lb = pl.pallas_call(
        _decode_body,
        in_specs=[spec] * 5,
        out_specs=[spec] * 5,
        out_shape=[
            jax.ShapeDtypeStruct((N, KPAD), f32),
            jax.ShapeDtypeStruct((N, KPAD), f32),
            jax.ShapeDtypeStruct((N, KPAD), f32),
            jax.ShapeDtypeStruct((N, KPAD), f32),
            jax.ShapeDtypeStruct((N, KPAD), i32),
        ],
    )(tvp, tip, glp, g0p, g1p)

    detections = jnp.stack([d0[:, :K_TOP], d1[:, :K_TOP]], axis=-1)
    return (detections, scores[:, :K_TOP], nl[:, :K_TOP], lb[:, :K_TOP])

# --- scband reference (transcript-rebuilt; emitter-appended) ---
"""Pipeline reference for scband-fcospost-processor-4913442586709 (READ-ONLY COPY).

The authoritative reference and input builder live on the scoring server;
editing this copy changes nothing except your own understanding.
"""

import jax, jax.numpy as jnp
import numpy as np

PRE_NMS_THRESH = 0.3
PRE_NMS_TOP_N = 1000
MIN_SIZE = 0.0
DOWNSAMPLE = 32.0


def setup_inputs(seed: int = 0) -> dict:
    key = jax.random.key(seed)
    k1, k2, k3 = jax.random.split(key, 3)
    N, C, T = 32, 4, 20000
    return {
        "locations": jnp.arange(T, dtype=jnp.float32),
        "box_cls": jax.random.normal(k1, (N, C, T), dtype=jnp.float32),
        "box_regression": jax.random.normal(k2, (N, 2, T), dtype=jnp.float32),
        "iou_scores": jax.random.normal(k3, (N, C, T), dtype=jnp.float32),
    }


def reference(locations, box_cls, box_regression, iou_scores):
    # Fixed-size (jit-friendly) formulation of FCOSPostProcessor single-level
    # post-processing: sigmoid scores, iou rescoring (is_first_stage=False),
    # threshold + pre_nms_top_n selection, 1D box decode with clamp to [0,1],
    # min_size filter, sqrt of scores. Invalid slots are zeroed instead of
    # dropped so output shapes are static.
    N, C, T = box_cls.shape
    cls = jax.nn.sigmoid(jnp.transpose(box_cls, (0, 2, 1)))        # [N, T, C]
    iou = jax.nn.sigmoid(jnp.transpose(iou_scores, (0, 2, 1)))     # [N, T, C]
    reg = jnp.transpose(box_regression, (0, 2, 1))                 # [N, T, 2]
    cls = cls * iou  # not first stage -> iou rescoring

    flat = cls.reshape(N, T * C)                                   # [N, T*C]
    cand = flat > PRE_NMS_THRESH
    masked = jnp.where(cand, flat, 0.0)
    topv, topi = jax.lax.top_k(masked, PRE_NMS_TOP_N)              # [N, K]

    box_loc = topi // C                                            # [N, K]
    labels = topi % C + 1                                          # [N, K]

    per_reg = jnp.take_along_axis(reg, box_loc[..., None], axis=1)  # [N, K, 2]
    per_loc = locations[box_loc]                                    # [N, K]

    start = jnp.clip((per_loc - per_reg[..., 0]) / DOWNSAMPLE, 0.0, 1.0)
    end = jnp.clip((per_loc + per_reg[..., 1]) / DOWNSAMPLE, 0.0, 1.0)
    duration = end - start

    valid = (topv > PRE_NMS_THRESH) & (duration >= MIN_SIZE)
    vf = valid.astype(jnp.float32)

    safe = jnp.where(valid, topv, 1.0)
    scores = jnp.sqrt(safe) * vf                                   # [N, K]
    detections = jnp.stack([start, end], axis=-1) * vf[..., None]  # [N, K, 2]
    norm_loc = (per_loc / DOWNSAMPLE) * vf                         # [N, K]
    return detections, scores, norm_loc, labels

if __name__ == "__main__":
    import jax
    _d = setup_inputs()
    print(jax.jit(kernel)(*tuple(_d.values())))

</pallas_src>

<mosaic_0001>
module attributes {stable_mosaic.version = 14 : i64} {
  func.func @_mask_body(%arg0: i32, %arg1: memref<8x4x20000xf32, #tpu.memory_space<vmem>>, %arg2: memref<8x4x20000xf32, #tpu.memory_space<vmem>>, %arg3: memref<8x4x20000xf32, #tpu.memory_space<vmem>>) attributes {dimension_semantics = [#tpu.dimension_semantics<arbitrary>], iteration_bounds = array<i64: 4>, scalar_prefetch = 0 : i64, scratch_operands = 0 : i64, tpu.core_type = #tpu.core_type<tc>, window_params = [{transform_indices = @transform_0, window_bounds = array<i64: 8, 4, 20000>}, {transform_indices = @transform_1, window_bounds = array<i64: 8, 4, 20000>}, {transform_indices = @transform_2, window_bounds = array<i64: 8, 4, 20000>}]} {
    %get3A = arith.constant 0 : index
    %get3A_0 = arith.constant 0 : index
    %get3A_1 = arith.constant 0 : index
    %get3A_2 = vector.load %arg1[%get3A, %get3A_0, %get3A_1] : memref<8x4x20000xf32, #tpu.memory_space<vmem>>, vector<8x4x20000xf32>
    %get3A_3 = arith.constant 0 : index
    %get3A_4 = arith.constant 0 : index
    %get3A_5 = arith.constant 0 : index
    %get3A_6 = vector.load %arg2[%get3A_3, %get3A_4, %get3A_5] : memref<8x4x20000xf32, #tpu.memory_space<vmem>>, vector<8x4x20000xf32>
    %neg3A = arith.constant 0.000000e+00 : f32
    %neg3A_7 = vector.broadcast %neg3A : f32 to vector<8x4x20000xf32>
    %neg3A_8 = arith.subf %neg3A_7, %get3A_2 : vector<8x4x20000xf32>
    %exp3A = math.exp %neg3A_8 : vector<8x4x20000xf32>
    %add3A = arith.constant 1.000000e+00 : f32
    %add3A_9 = vector.broadcast %add3A : f32 to vector<8x4x20000xf32>
    %add3A_10 = arith.addf %add3A_9, %exp3A : vector<8x4x20000xf32>
    %div3A = arith.constant 1.000000e+00 : f32
    %div3A_11 = vector.broadcast %div3A : f32 to vector<8x4x20000xf32>
    %div3A_12 = arith.divf %div3A_11, %add3A_10 : vector<8x4x20000xf32>
    %neg3A_13 = arith.constant 0.000000e+00 : f32
    %neg3A_14 = vector.broadcast %neg3A_13 : f32 to vector<8x4x20000xf32>
    %neg3A_15 = arith.subf %neg3A_14, %get3A_6 : vector<8x4x20000xf32>
    %exp3A_16 = math.exp %neg3A_15 : vector<8x4x20000xf32>
    %add3A_17 = arith.constant 1.000000e+00 : f32
    %add3A_18 = vector.broadcast %add3A_17 : f32 to vector<8x4x20000xf32>
    %add3A_19 = arith.addf %add3A_18, %exp3A_16 : vector<8x4x20000xf32>
    %div3A_20 = arith.constant 1.000000e+00 : f32
    %div3A_21 = vector.broadcast %div3A_20 : f32 to vector<8x4x20000xf32>
    %div3A_22 = arith.divf %div3A_21, %add3A_19 : vector<8x4x20000xf32>
    %mul3A = arith.mulf %div3A_12, %div3A_22 : vector<8x4x20000xf32>
    %gt3A = arith.constant 3.000000e-01 : f32
    %gt3A_23 = vector.broadcast %gt3A : f32 to vector<8x4x20000xf32>
    %gt3A_24 = arith.cmpf ogt, %mul3A, %gt3A_23 : vector<8x4x20000xf32>
    %jit3A = arith.constant 0.000000e+00 : f32
    %broadcast_in_dim3A = vector.broadcast %jit3A : f32 to vector<8x4x20000xf32>
    %select_n3A = arith.select %gt3A_24, %mul3A, %broadcast_in_dim3A : vector<8x4x20000xi1>, vector<8x4x20000xf32>
    %swap3A = arith.constant 0 : index
    %swap3A_25 = arith.constant 0 : index
    %swap3A_26 = arith.constant 0 : index
    %swap3A_27 = vector.load %arg3[%swap3A, %swap3A_25, %swap3A_26] : memref<8x4x20000xf32, #tpu.memory_space<vmem>>, vector<8x4x20000xf32>
    tpu.vector_store %arg3[%swap3A, %swap3A_25, %swap3A_26], %select_n3A {strides = array<i32>} : memref<8x4x20000xf32, #tpu.memory_space<vmem>>, vector<8x4x20000xf32>,
    return
  }
  func.func @transform_0(%arg0: i32) -> (i32, i32, i32) {
    %c0_i32 = arith.constant 0 : i32
    %c0_i32_0 = arith.constant 0 : i32
    %c0_i32_1 = arith.constant 0 : i32
    return %arg0, %c0_i32, %c0_i32_0 : i32, i32, i32
  }
  func.func @transform_1(%arg0: i32) -> (i32, i32, i32) {
    %c0_i32 = arith.constant 0 : i32
    %c0_i32_0 = arith.constant 0 : i32
    %c0_i32_1 = arith.constant 0 : i32
    return %arg0, %c0_i32, %c0_i32_0 : i32, i32, i32
  }
  func.func @transform_2(%arg0: i32) -> (i32, i32, i32) {
    %c0_i32 = arith.constant 0 : i32
    %c0_i32_0 = arith.constant 0 : i32
    %c0_i32_1 = arith.constant 0 : i32
    return %arg0, %c0_i32, %c0_i32_0 : i32, i32, i32
  }
}

module attributes {stable_mosaic.version = 14 : i64} {
  func.func @_decode_body(%arg0: memref<32x1024xf32, #tpu.memory_space<vmem>>, %arg1: memref<32x1024xi32, #tpu.memory_space<vmem>>, %arg2: memref<32x1024xf32, #tpu.memory_space<vmem>>, %arg3: memref<32x1024xf32, #tpu.memory_space<vmem>>, %arg4: memref<32x1024xf32, #tpu.memory_space<vmem>>, %arg5: memref<32x1024xf32, #tpu.memory_space<vmem>>, %arg6: memref<32x1024xf32, #tpu.memory_space<vmem>>, %arg7: memref<32x1024xf32, #tpu.memory_space<vmem>>, %arg8: memref<32x1024xf32, #tpu.memory_space<vmem>>, %arg9: memref<32x1024xi32, #tpu.memory_space<vmem>>) attributes {dimension_semantics = [], scalar_prefetch = 0 : i64, scratch_operands = 0 : i64, tpu.core_type = #tpu.core_type<tc>} {
    %get3A = arith.constant 0 : index
    %get3A_0 = arith.constant 0 : index
    %get3A_1 = vector.load %arg0[%get3A, %get3A_0] : memref<32x1024xf32, #tpu.memory_space<vmem>>, vector<32x1024xf32>
    %get3A_2 = arith.constant 0 : index
    %get3A_3 = arith.constant 0 : index
    %get3A_4 = vector.load %arg1[%get3A_2, %get3A_3] : memref<32x1024xi32, #tpu.memory_space<vmem>>, vector<32x1024xi32>
    %get3A_5 = arith.constant 0 : index
    %get3A_6 = arith.constant 0 : index
    %get3A_7 = vector.load %arg2[%get3A_5, %get3A_6] : memref<32x1024xf32, #tpu.memory_space<vmem>>, vector<32x1024xf32>
    %get3A_8 = arith.constant 0 : index
    %get3A_9 = arith.constant 0 : index
    %get3A_10 = vector.load %arg3[%get3A_8, %get3A_9] : memref<32x1024xf32, #tpu.memory_space<vmem>>, vector<32x1024xf32>
    %get3A_11 = arith.constant 0 : index
    %get3A_12 = arith.constant 0 : index
    %get3A_13 = vector.load %arg4[%get3A_11, %get3A_12] : memref<32x1024xf32, #tpu.memory_space<vmem>>, vector<32x1024xf32>
    %sub3A = arith.subf %get3A_7, %get3A_10 : vector<32x1024xf32>
    %div3A = arith.constant 3.200000e+01 : f32
    %div3A_14 = vector.broadcast %div3A : f32 to vector<32x1024xf32>
    %div3A_15 = arith.divf %sub3A, %div3A_14 : vector<32x1024xf32>
    %jit3A = arith.constant 0.000000e+00 : f32
    %jit3A_16 = arith.constant 1.000000e+00 : f32
    %max3A = vector.broadcast %jit3A : f32 to vector<32x1024xf32>
    %max3A_17 = arith.maximumf %max3A, %div3A_15 : vector<32x1024xf32>
    %min3A = vector.broadcast %jit3A_16 : f32 to vector<32x1024xf32>
    %min3A_18 = arith.minimumf %min3A, %max3A_17 : vector<32x1024xf32>
    %add3A = arith.addf %get3A_7, %get3A_13 : vector<32x1024xf32>
    %div3A_19 = arith.constant 3.200000e+01 : f32
    %div3A_20 = vector.broadcast %div3A_19 : f32 to vector<32x1024xf32>
    %div3A_21 = arith.divf %add3A, %div3A_20 : vector<32x1024xf32>
    %jit3A_22 = arith.constant 0.000000e+00 : f32
    %jit3A_23 = arith.constant 1.000000e+00 : f32
    %max3A_24 = vector.broadcast %jit3A_22 : f32 to vector<32x1024xf32>
    %max3A_25 = arith.maximumf %max3A_24, %div3A_21 : vector<32x1024xf32>
    %min3A_26 = vector.broadcast %jit3A_23 : f32 to vector<32x1024xf32>
    %min3A_27 = arith.minimumf %min3A_26, %max3A_25 : vector<32x1024xf32>
    %gt3A = arith.constant 3.000000e-01 : f32
    %gt3A_28 = vector.broadcast %gt3A : f32 to vector<32x1024xf32>
    %gt3A_29 = arith.cmpf ogt, %get3A_1, %gt3A_28 : vector<32x1024xf32>
    %sub3A_30 = arith.subf %min3A_27, %min3A_18 : vector<32x1024xf32>
    %ge3A = arith.constant 0.000000e+00 : f32
    %ge3A_31 = vector.broadcast %ge3A : f32 to vector<32x1024xf32>
    %ge3A_32 = arith.cmpf oge, %sub3A_30, %ge3A_31 : vector<32x1024xf32>
    %and3A = arith.andi %gt3A_29, %ge3A_32 : vector<32x1024xi1>
    %convert_element_type3A = arith.extui %and3A : vector<32x1024xi1> to vector<32x1024xi32>
    %convert_element_type3A_33 = arith.sitofp %convert_element_type3A : vector<32x1024xi32> to vector<32x1024xf32>
    %jit3A_34 = arith.constant 1.000000e+00 : f32
    %broadcast_in_dim3A = vector.broadcast %jit3A_34 : f32 to vector<32x1024xf32>
    %select_n3A = arith.select %and3A, %get3A_1, %broadcast_in_dim3A : vector<32x1024xi1>, vector<32x1024xf32>
    %mul3A = arith.mulf %min3A_18, %convert_element_type3A_33 : vector<32x1024xf32>
    %swap3A = arith.constant 0 : index
    %swap3A_35 = arith.constant 0 : index
    %swap3A_36 = vector.load %arg5[%swap3A, %swap3A_35] : memref<32x1024xf32, #tpu.memory_space<vmem>>, vector<32x1024xf32>
    tpu.vector_store %arg5[%swap3A, %swap3A_35], %mul3A {strides = array<i32>} : memref<32x1024xf32, #tpu.memory_space<vmem>>, vector<32x1024xf32>,
    %mul3A_37 = arith.mulf %min3A_27, %convert_element_type3A_33 : vector<32x1024xf32>
    %swap3A_38 = arith.constant 0 : index
    %swap3A_39 = arith.constant 0 : index
    %swap3A_40 = vector.load %arg6[%swap3A_38, %swap3A_39] : memref<32x1024xf32, #tpu.memory_space<vmem>>, vector<32x1024xf32>
    tpu.vector_store %arg6[%swap3A_38, %swap3A_39], %mul3A_37 {strides = array<i32>} : memref<32x1024xf32, #tpu.memory_space<vmem>>, vector<32x1024xf32>,
    %sqrt3A = math.sqrt %select_n3A : vector<32x1024xf32>
    %mul3A_41 = arith.mulf %sqrt3A, %convert_element_type3A_33 : vector<32x1024xf32>
    %swap3A_42 = arith.constant 0 : index
    %swap3A_43 = arith.constant 0 : index
    %swap3A_44 = vector.load %arg7[%swap3A_42, %swap3A_43] : memref<32x1024xf32, #tpu.memory_space<vmem>>, vector<32x1024xf32>
    tpu.vector_store %arg7[%swap3A_42, %swap3A_43], %mul3A_41 {strides = array<i32>} : memref<32x1024xf32, #tpu.memory_space<vmem>>, vector<32x1024xf32>,
    %div3A_45 = arith.constant 3.200000e+01 : f32
    %div3A_46 = vector.broadcast %div3A_45 : f32 to vector<32x1024xf32>
    %div3A_47 = arith.divf %get3A_7, %div3A_46 : vector<32x1024xf32>
    %mul3A_48 = arith.mulf %div3A_47, %convert_element_type3A_33 : vector<32x1024xf32>
    %swap3A_49 = arith.constant 0 : index
    %swap3A_50 = arith.constant 0 : index
    %swap3A_51 = vector.load %arg8[%swap3A_49, %swap3A_50] : memref<32x1024xf32, #tpu.memory_space<vmem>>, vector<32x1024xf32>
    tpu.vector_store %arg8[%swap3A_49, %swap3A_50], %mul3A_48 {strides = array<i32>} : memref<32x1024xf32, #tpu.memory_space<vmem>>, vector<32x1024xf32>,
    %and3A_52 = arith.constant 3 : i32
    %and3A_53 = vector.broadcast %and3A_52 : i32 to vector<32x1024xi32>
    %and3A_54 = arith.andi %get3A_4, %and3A_53 : vector<32x1024xi32>
    %add3A_55 = arith.constant 1 : i32
    %add3A_56 = vector.broadcast %add3A_55 : i32 to vector<32x1024xi32>
    %add3A_57 = arith.addi %and3A_54, %add3A_56 : vector<32x1024xi32>
    %swap3A_58 = arith.constant 0 : index
    %swap3A_59 = arith.constant 0 : index
    %swap3A_60 = vector.load %arg9[%swap3A_58, %swap3A_59] : memref<32x1024xi32, #tpu.memory_space<vmem>>, vector<32x1024xi32>
    tpu.vector_store %arg9[%swap3A_58, %swap3A_59], %add3A_57 {strides = array<i32>} : memref<32x1024xi32, #tpu.memory_space<vmem>>, vector<32x1024xi32>,
    return
  }
}

</mosaic_0001>

<sc_bundles>
// kernel: gather_offload_async_start.1
scs
__scs_entry_jumppad:
0x0: {  	(pc) =	sbr.rel $0x88, $3  }
0x1: {  	(tag) =	ssettag $0x0;
	lr =	simm.s32 $0x1  }
0x2: {  	[smem:$0x3F9D] =	sst lr;
	_ =	strace $0xD0000000  }
0x3: {  	_ = 	snop  }
0x4: {  	_ = 	snop  }
0x5: {  	_ = 	snop  }
0x6: {  	_ = 	snop  }
0x7: {  	_ = 	snop  }
__scs_overlays_trampoline_lowered:
0x8: {  	[smem:$0x3FAC] =	sst s0  }
0x9: {  	[smem:$0x3FAD] =	sst s1  }
0xa: {  	[smem:$0x3FAE] =	sst s2  }
0xb: {  	[smem:$0x3FAF] =	sst s3  }
0xc: {  	[smem:$0x3FB0] =	sst s4  }
0xd: {  	[smem:$0x3FB1] =	sst s5  }
0xe: {  	[smem:$0x3FB2] =	sst s6  }
0xf: {  	[smem:$0x3FB3] =	sst s7  }
0x10: {  	[smem:$0x3FB4] =	sst s8  }
0x11: {  	[smem:$0x3FB5] =	sst s9;
	s0 =	simm.s32 @!p0 $0x0  }
0x12: {  	s1 =	sld [smem:$0x3F9B];
	s0 =	simm.s32 @p0 $0x1  }
0x13: {  	[smem:$0x3FB6] =	sst s0;
	s0 =	simm.s32 @!p1 $0x0  }
0x14: {  	s2 =	sld [smem:$0x3F9A];
	s0 =	simm.s32 @p1 $0x1  }
0x15: {  	[smem:$0x3FB7] =	sst s0;
	s0 =	simm.s32 @!p2 $0x0  }
0x16: {  	s3 =	sld [smem:$0x3FDB];
	s0 =	simm.s32 @p2 $0x1  }
0x17: {  	s4 =	simm.s32 $0x1BF5;
	[smem:$0x3FB9] =	sst s0  }
0x18: {  	s0 =	sld [smem:$0x3F9C];
	_ =	swait.ge [sflag:s4], $0x0  }
0x19: {  	s7 =	sld [smem:$0x3F9D]  }
0x1a: {  	s8 =	sadd.s32 $0xFFFFE003, lr  }
0x1b: {  	s9 =	sadd.s32 $0xFFFFFEF7, lr;
	s5 =	simm.s32 $0xFFFFFFFF;
	p2 =	slt.u32 s8, $0xFFFFF086  }
0x1c: {  	p1 =	slt.u32 s9, $0xF7A;
	s5 =	simm.s32 @!p2 $0x0  }
0x1d: {  	s5 =	simm.s32 @p1 $0x1;
	p0 =	seq.s32 s7, s2  }
0x1e: {  	s7 =	smul.u32 @!p0 $0xF7A, s2;
	p2 =	seq.s32 @!p0 s5, $0x0  }
0x1f: {  	s9 =	smul.u32 $0xF7A, s1;
	s8 =	simm.s32 @!p0 $0x1BF5;
	p2 =	por !p2, p0  }
0x20: {  	[sflag:s8] =	ssyncset.s32 @!p0 $0xFFFFF086;
	s6 =	sadd.s32 @!p0 s3, s7;
	s7 =	simm.s32 @!p0 $0x108  }
0x21: {  	s3 =	sadd.s32 s3, s9;
	s6 =	sadd.s32 @!p0 $0x88, s6;
	s7 =	simm.s32 @p2 $0x1082  }
0x22: {  	[simem:s7], [sflag:s8] =	dma.local @!p0 [hbm:s6], $0xF7A  }
0x23: {  	s9 =	sor.u32 $0xD0000000, s2;
	s6 =	simm.s32 $0x108;
	_ =	swait.ge @!p0 [sflag:s8], $0x0  }
0x24: {  	s3 =	sadd.s32 $0x88, s3;
	s6 =	simm.s32 @!p1 $0x1082;
	[sflag:s4] =	ssyncset.s32 $0xFFFFF086  }
0x25: {  	[simem:s6], [sflag:s4] =	dma.local [hbm:s3], $0xF7A  }
0x26: {  	[smem:$0x3F9D] =	sst s1;
	(tag) =	ssettag s2;
	_ =	strace s9  }
0x27: {  	s1 =	sld [smem:$0x3FAD]  }
0x28: {  	s2 =	sld [smem:$0x3FAE]  }
0x29: {  	s4 =	sld [smem:$0x3FB0]  }
0x2a: {  	p0 =	seq.s32 s5, $0x0;
	s5 =	sld [smem:$0x3FB1]  }
0x2b: {  	s6 =	sld [smem:$0x3FB2]  }
0x2c: {  	s7 =	sld [smem:$0x3FB3]  }
0x2d: {  	s3 =	simm.s32 $0x108;
	s8 =	sld [smem:$0x3FB4]  }
0x2e: {  	s3 =	simm.s32 @!p0 $0x1082;
	s9 =	sld [smem:$0x3FB5]  }
0x2f: {  	lr =	sadd.s32 s0, s3;
	s0 =	sld [smem:$0x3FAC]  }
0x30: {  	s3 =	sld [smem:$0x3FAF]  }
0x31: {  	[smem:$0x3FB8] =	sst s10  }
0x32: {  	s10 =	sld [smem:$0x3FB6];
	_ =	sdelay $0x3  }
0x33: {  	p0 =	seq.s32 s10, $0x1;
	s10 =	sld [smem:$0x3FB8];
	_ =	sdelay $0x3  }
0x34: {  	[smem:$0x3FB8] =	sst s10  }
0x35: {  	s10 =	sld [smem:$0x3FB7];
	_ =	sdelay $0x3  }
0x36: {  	p1 =	seq.s32 s10, $0x1;
	s10 =	sld [smem:$0x3FB8];
	_ =	sdelay $0x3  }
0x37: {  	[smem:$0x3FB8] =	sst s10  }
0x38: {  	s10 =	sld [smem:$0x3FB9]  }
0x39: {  	_ = 	snop;
	(pc) =	sbr.ind lr, $3  }
0x3a: {  	_ = 	snop  }
0x3b: {  	_ = 	snop  }
0x3c: {  	p2 =	seq.s32 s10, $0x1;
	s10 =	sld [smem:$0x3FB8]  }
0x3d: {  	_ =	shalt  }
0x3e: {  	_ =	shalt  }
0x3f: {  	_ =	shalt  }
0x40: {  	_ =	shalt  }
0x41: {  	_ =	shalt  }
0x42: {  	_ =	shalt  }
0x43: {  	_ =	shalt  }
0x44: {  	_ =	shalt  }
0x45: {  	_ =	shalt  }
0x46: {  	_ =	shalt  }
0x47: {  	_ =	shalt  }
0x48: {  	_ =	shalt  }
0x49: {  	_ =	shalt  }
0x4a: {  	_ =	shalt  }
0x4b: {  	_ =	shalt  }
0x4c: {  	_ =	shalt  }
0x4d: {  	_ =	shalt  }
0x4e: {  	_ =	shalt  }
0x4f: {  	_ =	shalt  }
0x50: {  	_ =	shalt  }
0x51: {  	_ =	shalt  }
0x52: {  	_ =	shalt  }
0x53: {  	_ =	shalt  }
0x54: {  	_ =	shalt  }
0x55: {  	_ =	shalt  }
0x56: {  	_ =	shalt  }
0x57: {  	_ =	shalt  }
0x58: {  	_ =	shalt  }
0x59: {  	_ =	shalt  }
0x5a: {  	_ =	shalt  }
0x5b: {  	_ =	shalt  }
0x5c: {  	_ =	shalt  }
0x5d: {  	_ =	shalt  }
0x5e: {  	_ =	shalt  }
0x5f: {  	_ =	shalt  }
0x60: {  	_ =	shalt  }
0x61: {  	_ =	shalt  }
0x62: {  	_ =	shalt  }
0x63: {  	_ =	shalt  }
0x64: {  	_ =	shalt  }
0x65: {  	_ =	shalt  }
0x66: {  	_ =	shalt  }
0x67: {  	_ =	shalt  }
0x68: {  	_ =	shalt  }
0x69: {  	_ =	shalt  }
0x6a: {  	_ =	shalt  }
0x6b: {  	_ =	shalt  }
0x6c: {  	_ =	shalt  }
0x6d: {  	_ =	shalt  }
0x6e: {  	_ =	shalt  }
0x6f: {  	_ =	shalt  }
0x70: {  	_ =	shalt  }
0x71: {  	_ =	shalt  }
0x72: {  	_ =	shalt  }
0x73: {  	_ =	shalt  }
0x74: {  	_ =	shalt  }
0x75: {  	_ =	shalt  }
0x76: {  	_ =	shalt  }
0x77: {  	_ =	shalt  }
0x78: {  	_ =	shalt  }
0x79: {  	_ =	shalt  }
0x7a: {  	_ =	shalt  }
0x7b: {  	_ =	shalt  }
0x7c: {  	_ =	shalt  }
0x7d: {  	_ =	shalt  }
0x7e: {  	_ =	shalt  }
0x7f: {  	_ =	shalt  }
0x80: {  	_ =	shalt  }
0x81: {  	_ =	shalt  }
0x82: {  	_ =	shalt  }
0x83: {  	_ =	shalt  }
0x84: {  	_ =	shalt  }
0x85: {  	_ =	shalt  }
0x86: {  	_ =	shalt  }
0x87: {  	_ =	shalt  }
.Lfunc_end0:
.L_simem_size_0:
called_computation.1_lowered:
.L_overlay_start_0:
0x88: {  	s2 =	sld [smem:$0x3FD9]  }
0x89: {  	s3 =	sld [smem:$0x3FFE];
	_ =	sdelay $0x1  }
0x8a: {  	s1 =	srdreg.scid  }
0x8b: {  	s0 =	sand.u32 $0x1, s1  }
0x8c: {  	s16 =	sshll.u32 s0, $0xA;
	s2 =	sadd.s32 s3, s2  }
0x8d: {  	s2 =	sadd.s32 s2, s16  }
0x8e: {  	[smem:$0x3FC4] =	sst s2  }
0x8f: {  	_ = 	snop  }
0x90: {  	s17 =	sld [smem:$0x3FD0];
	_ =	sdelay $0x2  }
0x91: {  	s5 =	simm.s32 $0xB;
	s4 =	simm.s32 $0x10;
	s2 =	sld [smem:$0x3FC7]  }
0x92: {  	[smem:s4], [sflag:s5] =	dma.local [hbm:s17], $0x1  }
0x93: {  	_ =	swait.eq [sflag:s5], $0x1  }
0x94: {  	[sflag:s5] =	ssyncset.done $0x0  }
0x95: {  	s18 =	sld [smem:$0x10];
	[sflag:s5] =	ssyncadd.s32 $0xFFFFFFFF  }
0x96: {  	s19 =	sld [smem:$0x11];
	(tm) =	ssettm $0x1  }
0x97: {  	s20 =	sld [smem:$0x3FFB];
	_ =	sdelay $0x3  }
0x98: {  	_ =	strace s20  }
0x99: {  	s3 =	sld [smem:$0x3FFC];
	_ =	sdelay $0x3  }
0x9a: {  	_ =	strace s3  }
0x9b: {  	s3 =	sld [smem:$0x3FFD];
	_ =	sdelay $0x3  }
0x9c: {  	_ =	strace s3  }
0x9d: {  	_ =	strace $0x8FFFFFFF  }
0x9e: {  	s21 =	sld [smem:$0x3FDB];
	_ =	sdelay $0x1  }
0x9f: {  	s6 =	simm.s32 $_scs_section_size  }
0xa0: {  	s7 =	simm.s32 $_size__tile_overlayer_lowered;
	s8 =	simm.s32 $_tile_overlayer_lowered  }
0xa1: {  	s9 =	simm.s32 $0x1BFF;
	s22 =	sshll.u32 s8, $0x1;
	s6 =	sadd.s32 s6, s21  }
0xa2: {  	s23 =	simm.s32 $0x0;
	s7 =	sshll.u32 s7, $0x1;
	s8 =	sadd.s32 s22, s6  }
0xa3: {  	[timem:s23], [sflag:s9] =	dma.local [hbm:s8], s7  }
0xa4: {  	_ =	swait.ge [sflag:s9], s7  }
0xa5: {  	s7 =	ssub.s32 $0x0, s7;
	[sflag:s9] =	ssyncset.done $0x0  }
0xa6: {  	[sflag:s9] =	ssyncadd.s32 s7;
	_ =	sdelay $0x1  }
0xa7: {  	s24 =	simm.s32 $0x1B8B  }
0xa8: {  	_ =	swait.ge [sflag:s24], $0x1  }
0xa9: {  	[sflag:s24] =	ssyncset.done $0x0  }
0xaa: {  	[sflag:s24] =	ssyncadd.s32 $0xFFFFFFFF  }
0xab: {  	s7 =	sld [smem:$0x0]  }
0xac: {  	s8 =	sand.u32 $0xFFFFFFFE, s1  }
0xad: {  	p0 =	sne.s32 s1, s8  }
0xae: {  	s8 =	sshll.u32 @p0 s8, $0xE  }
0xaf: {  	s8 =	sadd.s32 @p0 $0x11B8D, s8;
	s9 =	sshll.u32 @p0 s7, $0x11  }
0xb0: {  	s8 =	sor.u32 @p0 s9, s8  }
0xb1: {  	[sflag:s8] =	ssyncadd.remote.s32 @p0 $0x1;
	_ =	sdelay $0x1  }
0xb2: {  	s8 =	simm.s32 @p0 $0x1B8D  }
0xb3: {  	_ =	swait.eq @p0 [sflag:s8], $0x1  }
0xb4: {  	[sflag:s8] =	ssyncadd.s32 @p0 $0xFFFFFFFF  }
0xb5: {  	s9 =	sshll.u32 @!p0 s1, $0xE  }
0xb6: {  	s9 =	sor.u32 @!p0 $0x4000, s9;
	s8 =	simm.s32 @!p0 $0x1B8D  }
0xb7: {  	s7 =	sshll.u32 @!p0 s7, $0x11;
	s9 =	sadd.s32 @!p0 $0x11B8D, s9;
	_ =	swait.eq @!p0 [sflag:s8], $0x1  }
0xb8: {  	s7 =	sor.u32 @!p0 s7, s9;
	[sflag:s8] =	ssyncadd.s32 @!p0 $0xFFFFFFFF  }
0xb9: {  	s25 =	simm.s32 $0x1B8E;
	[sflag:s7] =	ssyncadd.remote.s32 @!p0 $0x1  }
0xba: {  	s26 =	simm.s32 $execute0_lowered;
	[smem:$0x3FD2] =	sst s25  }
0xbb: {  	s7 =	sshll.u32 s26, $0x1;
	_ =	strace $0x80000049;
	[dreg:$0x1] =	wrdreg $0xFFFFFFFF  }
0xbc: {  	s28 =	simm.s32 $_size_execute0_lowered;
	s6 =	sadd.s32 s6, s7;
	[dreg:$0x0] =	wrdreg $0x0  }
0xbd: {  	s7 =	sshll.u32 s28, $0x1;
	[dreg:$0x2] =	wrdreg s6  }
0xbe: {  	[dreg:$0x3] =	wrdreg s7  }
0xbf: {  	[dreg:$0x4] =	wrdreg $0xC0  }
0xc0: {  	_ =	task [dreg:s23], $0x5FFFF  }
0xc1: {  	[dreg:$0x1] =	wrdreg $0xFFFFFFFF  }
0xc2: {  	[dreg:$0x0] =	wrdreg $0x60  }
0xc3: {  	[dreg:$0x2] =	wrdreg s2  }
0xc4: {  	[dreg:$0x3] =	wrdreg s19  }
0xc5: {  	[dreg:$0x4] =	wrdreg s18  }
0xc6: {  	[dreg:$0x5] =	wrdreg $0xA  }
0xc7: {  	_ =	task.clear_ibuf [dreg:s23], $0x6FFFF;
	_ =	strace $0x90000049  }
0xc8: {  	s29 =	simm.s32 $0xA;
	_ =	strace $0x8000004B  }
0xc9: {  	_ =	swait.ge [sflag:s29], $0x1  }
0xca: {  	[sflag:s29] =	ssyncadd.s32 $0xFFFFFFFF  }
0xcb: {  	_ =	strace $0x9000004B  }
0xcc: {  	_ =	sfence  }
0xcd: {  	s30 =	sld [smem:$0x0];
	_ =	sdelay $0x2  }
0xce: {  	s31 =	sshll.u32 s1, $0xD;
	s1 =	sshrl.u32 s1, $0x2  }
0xcf: {  	s4 =	sand.u32 $0x4000, s31;
	s1 =	sadd.s32 s1, s30  }
0xd0: {  	s0 =	sor.u32 s4, s0;
	s1 =	sshll.u32 s1, $0x11  }
0xd1: {  	s0 =	sor.u32 s1, s0  }
0xd2: {  	s0 =	sadd.s32 $0x8F2B, s0  }
0xd3: {  	[sflag:s0] =	ssyncadd.remote.s32 $0x1  }
0xd4: {  	_ =	sfence.sel $0xFFFF  }
0xd5: {  	[dreg:$0x0] =	wrdreg $0xFFFFFFFF;
	(pc) =	sbr.abs _section_cstart, $3  }
0xd6: {  	[dreg:$0x1] =	wrdreg $0xFFFFFFFF  }
0xd7: {  	_ =	task.clear_ibuf [dreg:s23], $0x2FFFF;
	_ =	strace $0x9FFFFFFF  }
0xd8: {  	(tm) =	ssettm $0x7FFFFFFF  }
0xd9: {  	_ =	shalt  }
tec
execute0_lowered:
.L_overlay_start_1:
0x0: {  	(tag) =	ssettag $0x1  }
0x1: {  	s2 =	rddreg [dreg:$0x0]  }
0x2: {  	s3 =	rddreg [dreg:$0x1]  }
0x3: {  	s0 =	stileid.u32;
	s1 =	srdreg.scid  }
0x4: {  	s4 =	rddreg [dreg:$0x2];
	s9 =	simm.s32 $0x1;
	s10 =	simm.s32 $0x3  }
0x5: {  	s13 =	simm.s32 $0x0;
	s5 =	sand.u32 $0x1, s1;
	s6 =	sshll.u32 s0, $0x1  }
0x6: {  	s12 =	simm.s32 $0x0;
	s1 =	rddreg [dreg:$0x3];
	s7 =	sor.u32 s6, s5  }
0x7: {  	_ =	strace $0x8000004A;
	s6 =	simm.s32 $0x1;
	s5 =	smul.u32 $0x280, s7  }
0x8: {  	p0 =	slt.u32 s7, $0x13;
	s7 =	simm.s32 $0x5000;
	[sflag:s6] =	ssyncpa.u1 $0x0  }
.Ltmp0:
0x9: {  	s7 =	simm.s32 @!p0 $0x0;
	s8 =	ssub.s32 $0x7D00, s5;
	(pc) =	sbr.rel .LBB2_1-.Ltmp0, $4  }
0xa: {  	s9 =	simm.s32 @!p0 $0x0;
	p0 =	sne.s32 s8, s7;
	s8 =	simm.s32 $0x1  }
0xb: {  	s11 =	smov.u32 s5;
	s7 =	simm.s32 $0x2;
	s8 =	simm.s32 @!p0 $0x0  }
0xc: {  	[sflag:s7] =	ssyncpa.u1 $0x0;
	p0 =	por $0x0, $0x0;
	s8 =	sadd.s32 s9, s8  }
0xd: {  	vm0 =	vmmov $0xffff;
	v0 =	vlaneseq.u32;
	[sflag:s10] =	ssyncpa.u1 $0x0;
	s10 =	simm.s32 $0x0;
	s9 =	sadd.s32 $0x1, s8  }
.LBB2_4:
0xe: {  	v2 =	vshrl.u32 v1, $0x5  }
0xf: {  	vm1 =	veq.s32 v1, $0x80000000;
	v1 =	vand.u32 $0x1F, v1;
	s15 =	sadd.s32 $0xFFFFFFF0, s15;
	v2 =	vand.u32 $0x7FFF, v2  }
0x10: {  	v1 =	vmul.u32 $0x9D00, v1;
	p1 =	sgt.s32 s15, $0x0;
	v2 =	vsel vm1, $0xFFFFFFFF, v2  }
0x11: {  	s15 =	simm.s32 @!p1 $0x0;
	v3 =	vshll.u32 v2, $0x1  }
0x12: {  	v1 =	vsel vm1, $0xFFFF6300, v1;
	s15 =	smin.u32 s15, $0x10;
	v3 =	vand.u32 $0xFFFFFF00, v3  }
0x13: {  	v2 =	vand.u32 $0x7F, v2;
	v1 =	vadd.s32 v1, v3;
	v3 =	vmov s15  }
0x14: {  	v1 =	vor.u32 v2, v1;
	vm1 =	vgt.u32 v3, v0  }
0x15: {  	v2 =	vnsel vm1, $0x7FFFFFFF, v1;
	_ =	sdelay $0x1  }
0x16: {  	s29 =	sand.u32 $0x700, s17;
	s16 =	sadd.s32 $0x10, s16;
	v1 =	vor.u32 $0x80, v1  }
0x17: {  	(ifvalue) =	ssetifvalue $0x7FFFFFFF;
	s16 =	sand.u32 $0x70, s16;
	s15 =	sadd.s32 s29, s14;
	v1 =	vnsel vm1, $0x7FFFFFFF, v1  }
0x18: {  	(ifvalue) =	ssetifvalue $0x7FFFFFFF;
	s15 =	sadd.s32 s16, s15  }
0x19: {  	[tilespmem:s15], [sflag:$0x1] =	stream.indirect_vreg.gather [hbm4b:s2+s10], $0x1, v2, vm0, $0x4038;
	[tilespmem:$0xF00] =	vst v63  }
0x1a: {  	(ifvalue) =	ssetifvalue $0x7FFFFFFF  }
0x1b: {  	s30 =	sshll.u32 s13, $0x1;
	s15 =	sadd.s32 $0x80, s15;
	(ifvalue) =	ssetifvalue $0x7FFFFFFF  }
0x1c: {  	[tilespmem:s15], [sflag:$0x1] =	stream.indirect_vreg.gather [hbm4b:s2+s10], $0x1, v1, vm0, $0x4038;
	[tilespmem:$0xF00] =	vst v63  }
0x1d: {  	s31 =	sand.u32 $0x78, s13;
	s15 =	sand.u32 $0xFFFFFF00, s30  }
0x1e: {  	_ =	swait.ge [sflag:s6], $0x500;
	s13 =	sor.u32 s31, s15  }
0x1f: {  	[sflag:s6] =	ssyncset.done $0x0;
	s13 =	sshrl.u32 s13, $0x3  }
0x20: {  	[sflag:s6] =	ssyncadd.s32 $0xFFFFFB00;
	s13 =	sadd.s32 s4, s13  }
0x21: {  	[hbm:s13] =	stream.linear.scatter [tilespmem:s14], [sflag:$0x3], $0x500, $0x38;
	[tilespmem:$0xF00] =	vst v63  }
.LBB2_5:
0x22: {  	s15 =	sadd.s32 $0x5000, s11  }
0x23: {  	p2 =	sgt.s32 s15, $0x7CFF  }
0x24: {  	s15 =	smov.u32 @p2 s5;
	p2 =	sne.s32 s12, s9  }
.Ltmp1:
0x25: {  	p1 =	slt.u32 s12, $0x2;
	(pc) =	sbr.rel @!p2 .LBB2_6-.Ltmp1, $4  }
0x26: {  	s14 =	simm.s32 @!p1 $0x3  }
0x27: {  	s16 =	sadd.s32 $0x1, s12;
	_ =	swait.ge @!p1 [sflag:s14], $0x500  }
0x28: {  	s13 =	smov.u32 s11;
	p0 =	por !p0, !p0;
	[sflag:s14] =	ssyncset.done @!p1 $0x0  }
0x29: {  	s12 =	smov.u32 s16;
	s11 =	smov.u32 s15;
	[sflag:s14] =	ssyncadd.s32 @!p1 $0xFFFFFB00  }
.LBB2_1:
0x2a: {  	p1 =	sge.u32 s12, s8  }
0x2b: {  	s14 =	sxor.u32 @!p1 $0x1, s12  }
0x2c: {  	s14 =	smul.u32 @!p1 $0xA00, s14  }
0x2d: {  	s31 =	sadd.s32 $0xFFFFFFFF, s12;
	s15 =	sshrl.u32 @!p1 s11, $0x3  }
0x2e: {  	s16 =	sand.u32 @!p1 $0x7, s11;
	s15 =	sadd.s32 @!p1 s3, s15;
	s14 =	sshra.s32 @!p1 s14, $0x2  }
0x2f: {  	[tilespmem:s14], [sflag:$0x2] =	stream.linear.gather @!p1 [hbm4b:s15+s16], $0x280, $0x38;
	[tilespmem:$0xF00] =	vst v63  }
0x30: {  	p1 =	sge.u32 s31, s8  }
.Ltmp2:
0x31: {  	_ = 	snop;
	(pc) =	sbr.rel @p1 .LBB2_5-.Ltmp2, $1  }
0x32: {  	_ =	sdelay $0x3  }
0x33: {  	s14 =	simm.s32 $0x1  }
0x34: {  	s14 =	simm.s32 @!p0 $0x0  }
0x35: {  	_ =	swait.ge [sflag:s7], $0x280;
	s14 =	smul.u32 $0xA00, s14  }
0x36: {  	[sflag:s7] =	ssyncset.done $0x0  }
0x37: {  	[sflag:s7] =	ssyncadd.s32 $0xFFFFFD80;
	s17 =	sshrl.u32 s14, $0x2  }
0x38: {  	v1 =	vld.msk [tilespmem:s17+$0x0 ss:$0x1], $0xffff;
	_ =	sdelay $0x3  }
0x39: {  	s15 =	ssub.s32 $0x7D00, s13  }
0x3a: {  	p1 =	slt.s32 s15, $0x280;
	v2 =	vshrl.u32 v1, $0x5  }
0x3b: {  	s15 =	simm.s32 @!p1 $0x280;
	vm1 =	veq.s32 v1, $0x80000000;
	v1 =	vand.u32 $0x1F, v1;
	v2 =	vand.u32 $0x7FFF, v2  }
0x3c: {  	p1 =	sgt.s32 s15, $0x0;
	s14 =	smov.u32 s15;
	v1 =	vmul.u32 $0x9D00, v1;
	v2 =	vsel vm1, $0xFFFFFFFF, v2  }
0x3d: {  	s14 =	simm.s32 @!p1 $0x0;
	v3 =	vshll.u32 v2, $0x1  }
0x3e: {  	s14 =	smin.u32 s14, $0x10;
	v1 =	vsel vm1, $0xFFFF6300, v1;
	v3 =	vand.u32 $0xFFFFFF00, v3  }
0x3f: {  	s16 =	sand.u32 $0x1, s12;
	v2 =	vand.u32 $0x7F, v2;
	v1 =	vadd.s32 v1, v3;
	v3 =	vmov s14  }
0x40: {  	s31 =	smul.u32 $0x1400, s16;
	v1 =	vor.u32 v2, v1;
	vm1 =	vgt.u32 v3, v0  }
0x41: {  	v2 =	vnsel vm1, $0x7FFFFFFF, v1  }
0x42: {  	s16 =	simm.s32 $0x0;
	s14 =	sshrl.u32 s31, $0x2  }
0x43: {  	s18 =	sand.u32 $0x700, s16;
	s14 =	sadd.s32 $0x500, s14;
	v1 =	vor.u32 $0x80, v1  }
0x44: {  	s19 =	sand.u32 $0x70, s16;
	(ifvalue) =	ssetifvalue $0x7FFFFFFF;
	s18 =	sadd.s32 s18, s14;
	v1 =	vnsel vm1, $0x7FFFFFFF, v1  }
0x45: {  	(ifvalue) =	ssetifvalue $0x7FFFFFFF;
	s18 =	sadd.s32 s19, s18  }
0x46: {  	[tilespmem:s18], [sflag:$0x1] =	stream.indirect_vreg.gather [hbm4b:s2+s10], $0x1, v2, vm0, $0x4038;
	[tilespmem:$0xF00] =	vst v63  }
0x47: {  	(ifvalue) =	ssetifvalue $0x7FFFFFFF  }
0x48: {  	s18 =	sadd.s32 $0x80, s18;
	(ifvalue) =	ssetifvalue $0x7FFFFFFF  }
0x49: {  	[tilespmem:s18], [sflag:$0x1] =	stream.indirect_vreg.gather [hbm4b:s2+s10], $0x1, v1, vm0, $0x4038;
	[tilespmem:$0xF00] =	vst v63  }
0x4a: {  	s18 =	sadd.s32 $0x10, s17  }
0x4b: {  	v1 =	vld.msk [tilespmem:s18+$0x0 ss:$0x1], $0xffff  }
0x4c: {  	s19 =	simm.s32 $0x40;
	s17 =	simm.s32 $0x20  }
.LBB2_3:
0x4d: {  	p1 =	sne.s32 s19, $0x4E0;
	_ =	sdelay $0x2  }
0x4e: {  	v2 =	vshrl.u32 v1, $0x5  }
0x4f: {  	vm1 =	veq.s32 v1, $0x80000000;
	v1 =	vand.u32 $0x1F, v1;
	s15 =	sadd.s32 $0xFFFFFFF0, s15;
	v2 =	vand.u32 $0x7FFF, v2  }
0x50: {  	v1 =	vmul.u32 $0x9D00, v1;
	p2 =	sgt.s32 s15, $0x0;
	s20 =	smov.u32 s15;
	v2 =	vsel vm1, $0xFFFFFFFF, v2  }
0x51: {  	s20 =	simm.s32 @!p2 $0x0;
	v3 =	vshll.u32 v2, $0x1  }
0x52: {  	v1 =	vsel vm1, $0xFFFF6300, v1;
	s20 =	smin.u32 s20, $0x10;
	v3 =	vand.u32 $0xFFFFFF00, v3  }
0x53: {  	v2 =	vand.u32 $0x7F, v2;
	v1 =	vadd.s32 v1, v3;
	v3 =	vmov s20  }
0x54: {  	v1 =	vor.u32 v2, v1;
	vm1 =	vgt.u32 v3, v0  }
0x55: {  	v2 =	vnsel vm1, $0x7FFFFFFF, v1;
	_ =	sdelay $0x1  }
0x56: {  	s16 =	sadd.s32 $0x10, s16;
	s20 =	sand.u32 $0x700, s17;
	s17 =	smov.u32 s19;
	v1 =	vor.u32 $0x80, v1  }
0x57: {  	s21 =	sand.u32 $0x70, s16;
	s20 =	sadd.s32 s20, s14;
	v1 =	vnsel vm1, $0x7FFFFFFF, v1;
	(ifvalue) =	ssetifvalue $0x7FFFFFFF  }
0x58: {  	s20 =	sadd.s32 s21, s20;
	(ifvalue) =	ssetifvalue $0x7FFFFFFF  }
0x59: {  	[tilespmem:s20], [sflag:$0x1] =	stream.indirect_vreg.gather [hbm4b:s2+s10], $0x1, v2, vm0, $0x4038;
	[tilespmem:$0xF00] =	vst v63  }
0x5a: {  	s18 =	sadd.s32 $0x10, s18;
	(ifvalue) =	ssetifvalue $0x7FFFFFFF  }
.Ltmp3:
0x5b: {  	s20 =	sadd.s32 $0x80, s20;
	(ifvalue) =	ssetifvalue $0x7FFFFFFF;
	(pc) =	sbr.rel @p1 .LBB2_3-.Ltmp3, $3  }
0x5c: {  	[tilespmem:s20], [sflag:$0x1] =	stream.indirect_vreg.gather [hbm4b:s2+s10], $0x1, v1, vm0, $0x4038;
	[tilespmem:$0xF00] =	vst v63  }
0x5d: {  	v1 =	vld.msk [tilespmem:s18+$0x0 ss:$0x1], $0xffff;
	_ =	sdelay $0x1  }
0x5e: {  	s19 =	sadd.s32 $0x20, s19  }
.Ltmp4:
0x5f: {  	_ = 	snop;
	(pc) =	sbr.rel .LBB2_4-.Ltmp4, $1  }
0x60: {  	_ =	sdelay $0x3  }
.LBB2_6:
0x61: {  	_ =	sfence.sel $0x180000  }
0x62: {  	s2 =	simm.s32 $0x2;
	[bflag:$0x0] =	sbarrier.arrive $0xFFFF  }
0x63: {  	s30 =	simm.s32 $0x3;
	[sflag:s2] =	ssyncpa.u1 $0x1  }
0x64: {  	s31 =	simm.s32 $0x1;
	[sflag:s30] =	ssyncpa.u1 $0x1  }
0x65: {  	[sflag:s31] =	ssyncpa.u1 $0x1  }
0x66: {  	p0 =	sne.s32 s0, $0x0;
	_ =	strace $0x9000004A  }
0x67: {  	s0 =	sadd.s32 @!p0 $0x100000, s1;
	[bflag:$0x2] =	sbarrier.arrive $0xFFFF  }
0x68: {  	[sflag:s0] =	ssyncadd.tile.s32 @!p0 $0x1;
	_ =	shalt  }
.Lfunc_end2:
_tile_overlayer_lowered:
.L_overlay_start_2:
0x69: {  	(tag) =	ssettag $0x2  }
0x6a: {  	s0 =	rddreg [dreg:$0x0];
	s2 =	stileid.u32  }
0x6b: {  	s1 =	rddreg [dreg:$0x1];
	p0 =	sne.s32 s2, $0x0  }
0x6c: {  	s3 =	rddreg [dreg:$0x2];
	[bflag:$0x3] =	sbarrier.arrive $0xFFFF;
	s2 =	simm.s32 @!p0 $0x1C01  }
0x6d: {  	[timem:s3], [sflag:s2] =	dma.local @!p0 [hbm:s0], s1  }
0x6e: {  	s0 =	simm.s32 @!p0 $0x1  }
0x6f: {  	_ =	swait.ge @!p0 [sflag:s0], s1  }
0x70: {  	s1 =	ssub.s32 @!p0 $0x0, s1;
	[sflag:s0] =	ssyncset.done @!p0 $0x0  }
0x71: {  	[sflag:s0] =	ssyncadd.s32 @!p0 s1  }
0x72: {  	[bflag:$0x3] =	sbarrier.arrive $0xFFFF  }
0x73: {  	_ =	shalt  }

// kernel: gather_offload_async_start
scs
__scs_entry_jumppad:
0x0: {  	(pc) =	sbr.rel $0x88, $3  }
0x1: {  	(tag) =	ssettag $0x0;
	lr =	simm.s32 $0x1  }
0x2: {  	[smem:$0x3F9D] =	sst lr;
	_ =	strace $0xD0000000  }
0x3: {  	_ = 	snop  }
0x4: {  	_ = 	snop  }
0x5: {  	_ = 	snop  }
0x6: {  	_ = 	snop  }
0x7: {  	_ = 	snop  }
__scs_overlays_trampoline_lowered:
0x8: {  	[smem:$0x3FAC] =	sst s0  }
0x9: {  	[smem:$0x3FAD] =	sst s1  }
0xa: {  	[smem:$0x3FAE] =	sst s2  }
0xb: {  	[smem:$0x3FAF] =	sst s3  }
0xc: {  	[smem:$0x3FB0] =	sst s4  }
0xd: {  	[smem:$0x3FB1] =	sst s5  }
0xe: {  	[smem:$0x3FB2] =	sst s6  }
0xf: {  	[smem:$0x3FB3] =	sst s7  }
0x10: {  	[smem:$0x3FB4] =	sst s8  }
0x11: {  	[smem:$0x3FB5] =	sst s9;
	s0 =	simm.s32 @!p0 $0x0  }
0x12: {  	s1 =	sld [smem:$0x3F9B];
	s0 =	simm.s32 @p0 $0x1  }
0x13: {  	[smem:$0x3FB6] =	sst s0;
	s0 =	simm.s32 @!p1 $0x0  }
0x14: {  	s2 =	sld [smem:$0x3F9A];
	s0 =	simm.s32 @p1 $0x1  }
0x15: {  	[smem:$0x3FB7] =	sst s0;
	s0 =	simm.s32 @!p2 $0x0  }
0x16: {  	s3 =	sld [smem:$0x3FDB];
	s0 =	simm.s32 @p2 $0x1  }
0x17: {  	s4 =	simm.s32 $0x1BF5;
	[smem:$0x3FB9] =	sst s0  }
0x18: {  	s0 =	sld [smem:$0x3F9C];
	_ =	swait.ge [sflag:s4], $0x0  }
0x19: {  	s7 =	sld [smem:$0x3F9D]  }
0x1a: {  	s8 =	sadd.s32 $0xFFFFE003, lr  }
0x1b: {  	s9 =	sadd.s32 $0xFFFFFEF7, lr;
	s5 =	simm.s32 $0xFFFFFFFF;
	p2 =	slt.u32 s8, $0xFFFFF086  }
0x1c: {  	p1 =	slt.u32 s9, $0xF7A;
	s5 =	simm.s32 @!p2 $0x0  }
0x1d: {  	s5 =	simm.s32 @p1 $0x1;
	p0 =	seq.s32 s7, s2  }
0x1e: {  	s7 =	smul.u32 @!p0 $0xF7A, s2;
	p2 =	seq.s32 @!p0 s5, $0x0  }
0x1f: {  	s9 =	smul.u32 $0xF7A, s1;
	s8 =	simm.s32 @!p0 $0x1BF5;
	p2 =	por !p2, p0  }
0x20: {  	[sflag:s8] =	ssyncset.s32 @!p0 $0xFFFFF086;
	s6 =	sadd.s32 @!p0 s3, s7;
	s7 =	simm.s32 @!p0 $0x108  }
0x21: {  	s3 =	sadd.s32 s3, s9;
	s6 =	sadd.s32 @!p0 $0x88, s6;
	s7 =	simm.s32 @p2 $0x1082  }
0x22: {  	[simem:s7], [sflag:s8] =	dma.local @!p0 [hbm:s6], $0xF7A  }
0x23: {  	s9 =	sor.u32 $0xD0000000, s2;
	s6 =	simm.s32 $0x108;
	_ =	swait.ge @!p0 [sflag:s8], $0x0  }
0x24: {  	s3 =	sadd.s32 $0x88, s3;
	s6 =	simm.s32 @!p1 $0x1082;
	[sflag:s4] =	ssyncset.s32 $0xFFFFF086  }
0x25: {  	[simem:s6], [sflag:s4] =	dma.local [hbm:s3], $0xF7A  }
0x26: {  	[smem:$0x3F9D] =	sst s1;
	(tag) =	ssettag s2;
	_ =	strace s9  }
0x27: {  	s1 =	sld [smem:$0x3FAD]  }
0x28: {  	s2 =	sld [smem:$0x3FAE]  }
0x29: {  	s4 =	sld [smem:$0x3FB0]  }
0x2a: {  	p0 =	seq.s32 s5, $0x0;
	s5 =	sld [smem:$0x3FB1]  }
0x2b: {  	s6 =	sld [smem:$0x3FB2]  }
0x2c: {  	s7 =	sld [smem:$0x3FB3]  }
0x2d: {  	s3 =	simm.s32 $0x108;
	s8 =	sld [smem:$0x3FB4]  }
0x2e: {  	s3 =	simm.s32 @!p0 $0x1082;
	s9 =	sld [smem:$0x3FB5]  }
0x2f: {  	lr =	sadd.s32 s0, s3;
	s0 =	sld [smem:$0x3FAC]  }
0x30: {  	s3 =	sld [smem:$0x3FAF]  }
0x31: {  	[smem:$0x3FB8] =	sst s10  }
0x32: {  	s10 =	sld [smem:$0x3FB6];
	_ =	sdelay $0x3  }
0x33: {  	p0 =	seq.s32 s10, $0x1;
	s10 =	sld [smem:$0x3FB8];
	_ =	sdelay $0x3  }
0x34: {  	[smem:$0x3FB8] =	sst s10  }
0x35: {  	s10 =	sld [smem:$0x3FB7];
	_ =	sdelay $0x3  }
0x36: {  	p1 =	seq.s32 s10, $0x1;
	s10 =	sld [smem:$0x3FB8];
	_ =	sdelay $0x3  }
0x37: {  	[smem:$0x3FB8] =	sst s10  }
0x38: {  	s10 =	sld [smem:$0x3FB9]  }
0x39: {  	_ = 	snop;
	(pc) =	sbr.ind lr, $3  }
0x3a: {  	_ = 	snop  }
0x3b: {  	_ = 	snop  }
0x3c: {  	p2 =	seq.s32 s10, $0x1;
	s10 =	sld [smem:$0x3FB8]  }
0x3d: {  	_ =	shalt  }
0x3e: {  	_ =	shalt  }
0x3f: {  	_ =	shalt  }
0x40: {  	_ =	shalt  }
0x41: {  	_ =	shalt  }
0x42: {  	_ =	shalt  }
0x43: {  	_ =	shalt  }
0x44: {  	_ =	shalt  }
0x45: {  	_ =	shalt  }
0x46: {  	_ =	shalt  }
0x47: {  	_ =	shalt  }
0x48: {  	_ =	shalt  }
0x49: {  	_ =	shalt  }
0x4a: {  	_ =	shalt  }
0x4b: {  	_ =	shalt  }
0x4c: {  	_ =	shalt  }
0x4d: {  	_ =	shalt  }
0x4e: {  	_ =	shalt  }
0x4f: {  	_ =	shalt  }
0x50: {  	_ =	shalt  }
0x51: {  	_ =	shalt  }
0x52: {  	_ =	shalt  }
0x53: {  	_ =	shalt  }
0x54: {  	_ =	shalt  }
0x55: {  	_ =	shalt  }
0x56: {  	_ =	shalt  }
0x57: {  	_ =	shalt  }
0x58: {  	_ =	shalt  }
0x59: {  	_ =	shalt  }
0x5a: {  	_ =	shalt  }
0x5b: {  	_ =	shalt  }
0x5c: {  	_ =	shalt  }
0x5d: {  	_ =	shalt  }
0x5e: {  	_ =	shalt  }
0x5f: {  	_ =	shalt  }
0x60: {  	_ =	shalt  }
0x61: {  	_ =	shalt  }
0x62: {  	_ =	shalt  }
0x63: {  	_ =	shalt  }
0x64: {  	_ =	shalt  }
0x65: {  	_ =	shalt  }
0x66: {  	_ =	shalt  }
0x67: {  	_ =	shalt  }
0x68: {  	_ =	shalt  }
0x69: {  	_ =	shalt  }
0x6a: {  	_ =	shalt  }
0x6b: {  	_ =	shalt  }
0x6c: {  	_ =	shalt  }
0x6d: {  	_ =	shalt  }
0x6e: {  	_ =	shalt  }
0x6f: {  	_ =	shalt  }
0x70: {  	_ =	shalt  }
0x71: {  	_ =	shalt  }
0x72: {  	_ =	shalt  }
0x73: {  	_ =	shalt  }
0x74: {  	_ =	shalt  }
0x75: {  	_ =	shalt  }
0x76: {  	_ =	shalt  }
0x77: {  	_ =	shalt  }
0x78: {  	_ =	shalt  }
0x79: {  	_ =	shalt  }
0x7a: {  	_ =	shalt  }
0x7b: {  	_ =	shalt  }
0x7c: {  	_ =	shalt  }
0x7d: {  	_ =	shalt  }
0x7e: {  	_ =	shalt  }
0x7f: {  	_ =	shalt  }
0x80: {  	_ =	shalt  }
0x81: {  	_ =	shalt  }
0x82: {  	_ =	shalt  }
0x83: {  	_ =	shalt  }
0x84: {  	_ =	shalt  }
0x85: {  	_ =	shalt  }
0x86: {  	_ =	shalt  }
0x87: {  	_ =	shalt  }
.Lfunc_end0:
.L_simem_size_0:
called_computation_lowered:
.L_overlay_start_0:
0x88: {  	s2 =	sld [smem:$0x3FD9]  }
0x89: {  	s3 =	sld [smem:$0x3FFE];
	_ =	sdelay $0x1  }
0x8a: {  	s1 =	srdreg.scid  }
0x8b: {  	s0 =	sand.u32 $0x1, s1  }
0x8c: {  	s14 =	sshll.u32 s0, $0xA;
	s2 =	sadd.s32 s3, s2  }
0x8d: {  	s2 =	sadd.s32 s2, s14  }
0x8e: {  	[smem:$0x3FC4] =	sst s2  }
0x8f: {  	_ = 	snop  }
0x90: {  	s2 =	sld [smem:$0x3FD0];
	_ =	sdelay $0x2  }
0x91: {  	s4 =	simm.s32 $0xB;
	s5 =	simm.s32 $0x10;
	s15 =	sld [smem:$0x3FC9]  }
0x92: {  	[smem:s5], [sflag:s4] =	dma.local [hbm:s2], $0x1  }
0x93: {  	_ =	swait.eq [sflag:s4], $0x1  }
0x94: {  	[sflag:s4] =	ssyncset.done $0x0  }
0x95: {  	[sflag:s4] =	ssyncadd.s32 $0xFFFFFFFF  }
0x96: {  	s16 =	sld [smem:$0x12];
	(tm) =	ssettm $0x1  }
0x97: {  	s17 =	sld [smem:$0x3FFB];
	_ =	sdelay $0x3  }
0x98: {  	_ =	strace s17  }
0x99: {  	s4 =	sld [smem:$0x3FFC];
	_ =	sdelay $0x3  }
0x9a: {  	_ =	strace s4  }
0x9b: {  	s4 =	sld [smem:$0x3FFD];
	_ =	sdelay $0x3  }
0x9c: {  	_ =	strace s4  }
0x9d: {  	_ =	strace $0x8FFFFFFF  }
0x9e: {  	s18 =	sld [smem:$0x3FDB];
	_ =	sdelay $0x1  }
0x9f: {  	s19 =	simm.s32 $_scs_section_size  }
0xa0: {  	s6 =	simm.s32 $_size__tile_overlayer_lowered;
	s7 =	simm.s32 $_tile_overlayer_lowered  }
0xa1: {  	s22 =	simm.s32 $0x1BFF;
	s21 =	sshll.u32 s7, $0x1;
	s4 =	sadd.s32 s19, s18  }
0xa2: {  	s8 =	simm.s32 $0x0;
	s20 =	sshll.u32 s6, $0x1;
	s6 =	sadd.s32 s21, s4  }
0xa3: {  	[timem:s8], [sflag:s22] =	dma.local [hbm:s6], s20  }
0xa4: {  	_ =	swait.ge [sflag:s22], s20  }
0xa5: {  	s5 =	ssub.s32 $0x0, s20;
	[sflag:s22] =	ssyncset.done $0x0  }
0xa6: {  	[sflag:s22] =	ssyncadd.s32 s5;
	_ =	sdelay $0x1  }
0xa7: {  	s23 =	simm.s32 $0x1B8B  }
0xa8: {  	_ =	swait.ge [sflag:s23], $0x1  }
0xa9: {  	[sflag:s23] =	ssyncset.done $0x0  }
0xaa: {  	s25 =	simm.s32 $0x1B8E;
	s24 =	sld [smem:$0x3FFE];
	[sflag:s23] =	ssyncadd.s32 $0xFFFFFFFF  }
0xab: {  	s26 =	simm.s32 $execute0_lowered;
	[smem:$0x3FD2] =	sst s25  }
0xac: {  	s6 =	sshll.u32 s26, $0x1;
	_ =	strace $0x80000046;
	[dreg:$0x1] =	wrdreg $0xFFFFFFFF  }
0xad: {  	s28 =	simm.s32 $_size_execute0_lowered;
	s4 =	sadd.s32 s4, s6;
	[dreg:$0x0] =	wrdreg $0x0  }
0xae: {  	s6 =	sshll.u32 s28, $0x1;
	[dreg:$0x2] =	wrdreg s4  }
0xaf: {  	[dreg:$0x3] =	wrdreg s6  }
0xb0: {  	[dreg:$0x4] =	wrdreg $0xC0  }
0xb1: {  	_ =	task [dreg:s8], $0x5FFFF  }
0xb2: {  	[dreg:$0x1] =	wrdreg $0xFFFFFFFF  }
0xb3: {  	[dreg:$0x0] =	wrdreg $0x60  }
0xb4: {  	[dreg:$0x2] =	wrdreg s15  }
0xb5: {  	[dreg:$0x3] =	wrdreg s16  }
0xb6: {  	[dreg:$0x4] =	wrdreg s24  }
0xb7: {  	[dreg:$0x5] =	wrdreg $0x9  }
0xb8: {  	_ =	task.clear_ibuf [dreg:s8], $0x6FFFF;
	_ =	strace $0x90000046  }
0xb9: {  	s29 =	simm.s32 $0x9;
	_ =	strace $0x80000048  }
0xba: {  	_ =	swait.ge [sflag:s29], $0x1  }
0xbb: {  	[sflag:s29] =	ssyncadd.s32 $0xFFFFFFFF  }
0xbc: {  	_ =	strace $0x90000048  }
0xbd: {  	_ =	sfence  }
0xbe: {  	s30 =	sld [smem:$0x0];
	_ =	sdelay $0x2  }
0xbf: {  	s31 =	sshll.u32 s1, $0xD;
	s1 =	sshrl.u32 s1, $0x2  }
0xc0: {  	s3 =	sand.u32 $0x4000, s31;
	s1 =	sadd.s32 s1, s30  }
0xc1: {  	s0 =	sor.u32 s3, s0;
	s1 =	sshll.u32 s1, $0x11  }
0xc2: {  	s0 =	sor.u32 s1, s0  }
0xc3: {  	s0 =	sadd.s32 $0x8F2B, s0  }
0xc4: {  	[sflag:s0] =	ssyncadd.remote.s32 $0x1  }
0xc5: {  	_ =	sfence.sel $0xFFFF  }
0xc6: {  	[dreg:$0x0] =	wrdreg $0xFFFFFFFF;
	(pc) =	sbr.abs _section_cstart, $3  }
0xc7: {  	[dreg:$0x1] =	wrdreg $0xFFFFFFFF  }
0xc8: {  	_ =	task.clear_ibuf [dreg:s8], $0x2FFFF;
	_ =	strace $0x9FFFFFFF  }
0xc9: {  	(tm) =	ssettm $0x7FFFFFFF  }
tec
execute0_lowered:
.L_overlay_start_1:
0x0: {  	(tag) =	ssettag $0x1  }
0x1: {  	s2 =	rddreg [dreg:$0x0]  }
0x2: {  	s3 =	rddreg [dreg:$0x1]  }
0x3: {  	s0 =	stileid.u32;
	s1 =	srdreg.scid  }
0x4: {  	s8 =	rddreg [dreg:$0x2];
	s9 =	simm.s32 $0x1;
	s10 =	simm.s32 $0x3  }
0x5: {  	s13 =	simm.s32 $0x0;
	s4 =	sand.u32 $0x1, s1;
	s5 =	sshll.u32 s0, $0x1  }
0x6: {  	s12 =	simm.s32 $0x0;
	s1 =	rddreg [dreg:$0x3];
	s6 =	sor.u32 s5, s4  }
0x7: {  	_ =	strace $0x80000047;
	s8 =	sadd.s32 $0x4E600, s8;
	s4 =	smul.u32 $0x320, s6  }
0x8: {  	s5 =	simm.s32 $0x1;
	p0 =	slt.u32 s6, $0x9;
	s6 =	simm.s32 $0x6400  }
.Ltmp0:
0x9: {  	s6 =	simm.s32 @!p0 $0x0;
	s7 =	ssub.s32 $0x7D00, s4;
	(pc) =	sbr.rel .LBB2_1-.Ltmp0, $4  }
0xa: {  	s9 =	simm.s32 @!p0 $0x0;
	p0 =	sne.s32 s7, s6;
	s7 =	simm.s32 $0x1  }
0xb: {  	[sflag:s5] =	ssyncpa.u1 $0x0;
	s6 =	simm.s32 $0x2;
	s7 =	simm.s32 @!p0 $0x0  }
0xc: {  	s11 =	smov.u32 s4;
	[sflag:s6] =	ssyncpa.u1 $0x0;
	s7 =	sadd.s32 s9, s7  }
0xd: {  	vm0 =	vmmov $0xffff;
	[sflag:s10] =	ssyncpa.u1 $0x0;
	s10 =	simm.s32 $0x0;
	s9 =	sadd.s32 $0x1, s7  }
.LBB2_4:
0xe: {  	v2 =	vnsel vm1, $0x0, v2  }
0xf: {  	vm1 =	vgt.s32 v0, $0x0;
	v2 =	vmin.u32 v2, $0x4E1F  }
0x10: {  	v0 =	vnsel vm1, $0x0, v0  }
0x11: {  	v0 =	vmin.u32 v0, $0x4E1F  }
0x12: {  	[tilespmem:s18], [sflag:$0x1] =	stream.indirect_vreg.gather [hbm4b:s2+s10], $0x1, v1, vm0, $0x4038;
	[tilespmem:$0xC80] =	vst v63  }
0x13: {  	(ifvalue) =	ssetifvalue $0x7FFFFFFF  }
0x14: {  	[tilespmem:s15], [sflag:$0x1] =	stream.indirect_vreg.gather [hbm4b:s2+s10], $0x1, v2, vm0, $0x4038;
	[tilespmem:$0xC80] =	vst v63  }
0x15: {  	s29 =	sadd.s32 $0x10, s15;
	(ifvalue) =	ssetifvalue $0x7FFFFFFF  }
0x16: {  	[tilespmem:s29], [sflag:$0x1] =	stream.indirect_vreg.gather [hbm4b:s2+s10], $0x1, v0, vm0, $0x4038;
	[tilespmem:$0xC80] =	vst v63  }
0x17: {  	_ =	swait.ge [sflag:s5], $0x320  }
0x18: {  	s30 =	sshrl.u32 s13, $0x3;
	[sflag:s5] =	ssyncset.done $0x0  }
0x19: {  	s31 =	sand.u32 $0x7, s13;
	s15 =	sadd.s32 s8, s30;
	[sflag:s5] =	ssyncadd.s32 $0xFFFFFCE0  }
0x1a: {  	[hbm4b:s15+s31] =	stream.linear.scatter [tilespmem:s14], [sflag:$0x3], $0x320, $0x38;
	[tilespmem:$0xC80] =	vst v63  }
.LBB2_5:
0x1b: {  	s15 =	sadd.s32 $0x6400, s11  }
0x1c: {  	p1 =	sgt.s32 s15, $0x7CFF  }
0x1d: {  	s15 =	smov.u32 @p1 s4;
	p1 =	sne.s32 s12, s9  }
.Ltmp1:
0x1e: {  	p0 =	slt.u32 s12, $0x2;
	(pc) =	sbr.rel @!p1 .LBB2_6-.Ltmp1, $4  }
0x1f: {  	s14 =	simm.s32 @!p0 $0x3  }
0x20: {  	_ =	swait.ge @!p0 [sflag:s14], $0x320  }
0x21: {  	s16 =	sadd.s32 $0x1, s12;
	s13 =	smov.u32 s11;
	[sflag:s14] =	ssyncset.done @!p0 $0x0  }
0x22: {  	s12 =	smov.u32 s16;
	s11 =	smov.u32 s15;
	[sflag:s14] =	ssyncadd.s32 @!p0 $0xFFFFFCE0  }
.LBB2_1:
0x23: {  	p0 =	sge.u32 s12, s7  }
0x24: {  	s14 =	sxor.u32 @!p0 $0x1, s12  }
0x25: {  	s14 =	smul.u32 @!p0 $0xC80, s14  }
0x26: {  	s31 =	sadd.s32 $0xFFFFFFFF, s12;
	s15 =	sshrl.u32 @!p0 s11, $0x3  }
0x27: {  	s16 =	sand.u32 @!p0 $0x7, s11;
	s15 =	sadd.s32 @!p0 s3, s15;
	s14 =	sshra.s32 @!p0 s14, $0x2  }
0x28: {  	[tilespmem:s14], [sflag:$0x2] =	stream.linear.gather @!p0 [hbm4b:s15+s16], $0x320, $0x38;
	[tilespmem:$0xC80] =	vst v63  }
0x29: {  	p0 =	sge.u32 s31, s7  }
.Ltmp2:
0x2a: {  	_ = 	snop;
	(pc) =	sbr.rel @p0 .LBB2_5-.Ltmp2, $1  }
0x2b: {  	_ =	sdelay $0x3  }
0x2c: {  	s14 =	sand.u32 $0x1, s12  }
0x2d: {  	_ =	swait.ge [sflag:s6], $0x320;
	p0 =	seq.s32 s14, $0x1;
	s14 =	simm.s32 $0x320  }
0x2e: {  	[sflag:s6] =	ssyncset.done $0x0;
	s14 =	simm.s32 @!p0 $0x0  }
0x2f: {  	[sflag:s6] =	ssyncadd.s32 $0xFFFFFCE0;
	(ifvalue) =	ssetifvalue $0x7FFFFFFF;
	v0 =	vld.msk [tilespmem:s14+$0x0 ss:$0x1], $0xffff;
	_ =	sdelay $0x4  }
0x30: {  	s15 =	sadd.s32 $0x10, s14;
	vm1 =	vgt.s32 v0, $0x0  }
0x31: {  	v2 =	vld.msk [tilespmem:s15+$0x0 ss:$0x1], $0xffff;
	v1 =	vnsel vm1, $0x0, v0  }
0x32: {  	v1 =	vmin.u32 v1, $0x4E1F;
	_ =	sdelay $0x2  }
0x33: {  	s17 =	simm.s32 $0x20;
	s14 =	sadd.s32 $0x640, s14;
	s16 =	sadd.s32 $0x10, s15  }
0x34: {  	s15 =	sadd.s32 $0x10, s14;
	s18 =	smov.u32 s14;
	v0 =	vld.msk [tilespmem:s16+$0x0 ss:$0x1], $0xffff;
	vm1 =	vgt.s32 v2, $0x0;
	(ifvalue) =	ssetifvalue $0x7FFFFFFF  }
.LBB2_3:
0x35: {  	[tilespmem:s18], [sflag:$0x1] =	stream.indirect_vreg.gather [hbm4b:s2+s10], $0x1, v1, vm0, $0x4038;
	[tilespmem:$0xC80] =	vst v63  }
0x36: {  	s17 =	sadd.s32 $0x10, s17  }
0x37: {  	v2 =	vnsel vm1, $0x0, v2;
	p0 =	slt.u32 s17, $0x310  }
.Ltmp3:
0x38: {  	s18 =	smov.u32 s15;
	v1 =	vmin.u32 v2, $0x4E1F;
	(pc) =	sbr.rel @p0 .LBB2_3-.Ltmp3, $3  }
0x39: {  	_ =	sdelay $0x1  }
0x3a: {  	s16 =	sadd.s32 $0x10, s16  }
0x3b: {  	vm1 =	vgt.s32 v0, $0x0;
	s15 =	sadd.s32 $0x10, s15;
	v2 =	vmov v0;
	(ifvalue) =	ssetifvalue $0x7FFFFFFF;
	v0 =	vld.msk [tilespmem:s16+$0x0 ss:$0x1], $0xffff  }
.Ltmp4:
0x3c: {  	_ = 	snop;
	(pc) =	sbr.rel .LBB2_4-.Ltmp4, $1  }
0x3d: {  	_ =	sdelay $0x3  }
.LBB2_6:
0x3e: {  	_ =	sfence.sel $0x180000  }
0x3f: {  	s2 =	simm.s32 $0x2;
	[bflag:$0x0] =	sbarrier.arrive $0xFFFF  }
0x40: {  	s30 =	simm.s32 $0x3;
	[sflag:s2] =	ssyncpa.u1 $0x1  }
0x41: {  	s31 =	simm.s32 $0x1;
	[sflag:s30] =	ssyncpa.u1 $0x1  }
0x42: {  	[sflag:s31] =	ssyncpa.u1 $0x1  }
0x43: {  	p0 =	sne.s32 s0, $0x0;
	_ =	strace $0x90000047  }
0x44: {  	s0 =	sadd.s32 @!p0 $0x100000, s1;
	[bflag:$0x2] =	sbarrier.arrive $0xFFFF  }
0x45: {  	[sflag:s0] =	ssyncadd.tile.s32 @!p0 $0x1;
	_ =	shalt  }
.Lfunc_end2:
_tile_overlayer_lowered:
.L_overlay_start_2:
0x46: {  	(tag) =	ssettag $0x2  }
0x47: {  	s0 =	rddreg [dreg:$0x0];
	s2 =	stileid.u32  }
0x48: {  	s1 =	rddreg [dreg:$0x1];
	p0 =	sne.s32 s2, $0x0  }
0x49: {  	s3 =	rddreg [dreg:$0x2];
	[bflag:$0x3] =	sbarrier.arrive $0xFFFF;
	s2 =	simm.s32 @!p0 $0x1C01  }
0x4a: {  	[timem:s3], [sflag:s2] =	dma.local @!p0 [hbm:s0], s1  }
0x4b: {  	s0 =	simm.s32 @!p0 $0x1  }
0x4c: {  	_ =	swait.ge @!p0 [sflag:s0], s1  }
0x4d: {  	s1 =	ssub.s32 @!p0 $0x0, s1;
	[sflag:s0] =	ssyncset.done @!p0 $0x0  }
0x4e: {  	[sflag:s0] =	ssyncadd.s32 @!p0 s1  }
0x4f: {  	[bflag:$0x3] =	sbarrier.arrive $0xFFFF  }
0x50: {  	_ =	shalt  }

</sc_bundles>
